<compile_context>
chip_gen: v7x
topology: tpu7x:2x2x1
jax: 0.10.2.dev20260603
libtpu: 0.0.44.dev20260713+nightly
codegen_flags: <defaults>
</compile_context>

<pallas_src>
import functools

import jax
import jax.numpy as jnp
from jax.experimental import pallas as pl
from jax.experimental.pallas import tpu as pltpu
from jax.experimental.pallas import tpu_sc as plsc

_K = 1024
_D = 64
_TILE = 576
_CH = 96


_ROWS = 2


def _vq_idx_tile(xt_hbm, cb2t_ref, csqt_ref, idx_ref, xbuf, sem):
    i = pl.program_id(0)
    nb = pl.num_programs(0)
    slot = jax.lax.rem(i, 2)
    nxt = jax.lax.rem(i + 1, 2)

    @pl.when(i == 0)
    def _():
        pltpu.make_async_copy(xt_hbm.at[pl.ds(0, _ROWS)], xbuf.at[0],
                              sem.at[0]).start()

    @pl.when(i + 1 < nb)
    def _():
        pltpu.make_async_copy(xt_hbm.at[pl.ds((i + 1) * _ROWS, _ROWS)],
                              xbuf.at[nxt], sem.at[nxt]).start()

    pltpu.make_async_copy(xt_hbm.at[pl.ds(i * _ROWS, _ROWS)], xbuf.at[slot],
                          sem.at[slot]).wait()
    xt = jnp.concatenate([xbuf[slot, r] for r in range(_ROWS)],
                         axis=1)
    xsq = jnp.sum(xt * xt, axis=0, keepdims=True)
    m2 = jax.lax.dot_general(cb2t_ref[...], xt,
                             (((0,), (0,)), ((), ())),
                             preferred_element_type=jnp.float32)
    dist = (xsq + csqt_ref[...]) - m2
    minval = jnp.min(dist, axis=0, keepdims=True)
    iota_col = jax.lax.broadcasted_iota(jnp.int32, (_K, 1), 0).astype(
        jnp.float32)
    idx = jnp.min(jnp.where(dist == minval, iota_col, float(_K)),
                  axis=0, keepdims=True).astype(jnp.int32)
    idx_ref[...] = idx.reshape(1, 1, _ROWS * _TILE)


def _tc_argmin(inputs3d, codebook):
    b = inputs3d.shape[0]
    xt = jnp.transpose(inputs3d, (0, 2, 1))
    cb2t = codebook.T + codebook.T
    csqt = jnp.sum(codebook ** 2, axis=1)[:, None]
    return pl.pallas_call(
        _vq_idx_tile,
        grid=(b // _ROWS,),
        in_specs=[
            pl.BlockSpec(memory_space=pltpu.MemorySpace.HBM),
            pl.BlockSpec((_D, _K), lambda i: (0, 0)),
            pl.BlockSpec((_K, 1), lambda i: (0, 0)),
        ],
        out_specs=pl.BlockSpec((1, 1, _ROWS * _TILE), lambda i: (i, 0, 0)),
        out_shape=jax.ShapeDtypeStruct((b // _ROWS, 1, _ROWS * _TILE),
                                       jnp.int32),
        scratch_shapes=[
            pltpu.VMEM((2, _ROWS, _D, _TILE), jnp.float32),
            pltpu.SemaphoreType.DMA((2,)),
        ],
        compiler_params=pltpu.CompilerParams(
            dimension_semantics=("arbitrary",)),
    )(xt, cb2t, csqt)


def _sc_gather(codebook, idx3d, n):
    cb_pad = jnp.pad(codebook, ((0, 0), (0, 128 - _D)))
    info = plsc.get_sparse_core_info()
    nw = info.num_cores * info.num_subcores
    b_per_w = n // nw
    n_ch = b_per_w // _CH
    assert idx3d.shape == (nw, n_ch, _CH)
    mesh = plsc.VectorSubcoreMesh(core_axis_name="c", subcore_axis_name="s")

    @functools.partial(
        pl.kernel, mesh=mesh,
        out_type=jax.ShapeDtypeStruct((n, 128), jnp.float32),
        scratch_types=[
            pltpu.VMEM((n_ch, _CH), jnp.int32),
            pltpu.VMEM((b_per_w, 128), jnp.float32),
            pltpu.VMEM_SHARED((_K, 128), jnp.float32),
            pltpu.SemaphoreType.DMA,
        ],
    )
    def gather_k(cb_hbm, idx_hbm, out_hbm, idx_v, rows_v, cb_sh, sem):
        sid = jax.lax.axis_index("s")
        wid = sid * info.num_cores + jax.lax.axis_index("c")

        @pl.when(sid == 0)
        def _():
            pltpu.sync_copy(cb_hbm, cb_sh)

        pltpu.sync_copy(idx_hbm.at[wid], idx_v)
        plsc.subcore_barrier()
        copies = [
            pltpu.async_copy(cb_sh.at[idx_v.at[j]],
                             rows_v.at[pl.ds(j * _CH, _CH)], sem)
            for j in range(n_ch)
        ]
        for c in copies:
            c.wait()
        pltpu.sync_copy(rows_v, out_hbm.at[pl.ds(wid * b_per_w, b_per_w)])

    return gather_k(cb_pad, idx3d)[:, :_D]


def kernel(inputs, codebook):
    input_shape = inputs.shape
    n = input_shape[0] * input_shape[1]
    idx = _tc_argmin(inputs, codebook)
    nw = input_shape[0]
    idx3d = idx.reshape(nw, _TILE // _CH, _CH)
    q = _sc_gather(codebook, idx3d, n)
    return (q.reshape(input_shape), idx.reshape(-1))

# --- scband reference (transcript-rebuilt; emitter-appended) ---
"""Pipeline reference for scband-vector-quantizer-29961691857520 (READ-ONLY COPY).

The authoritative reference and input builder live on the scoring server;
editing this copy changes nothing except your own understanding.
"""

import jax, jax.numpy as jnp
import numpy as np

NUM_EMBEDDINGS = 1024
EMBEDDING_DIM = 64

def setup_inputs(seed: int = 0) -> dict:
    key = jax.random.key(seed)
    k1, k2 = jax.random.split(key)
    inputs = jax.random.normal(k1, (32, 576, EMBEDDING_DIM), dtype=jnp.float32)
    codebook = jax.random.uniform(k2, (NUM_EMBEDDINGS, EMBEDDING_DIM), dtype=jnp.float32,
                                  minval=-1.0 / NUM_EMBEDDINGS, maxval=1.0 / NUM_EMBEDDINGS)
    return {"inputs": inputs, "codebook": codebook}

def reference(inputs, codebook):
    input_shape = inputs.shape
    flat = inputs.reshape(-1, EMBEDDING_DIM)
    distances = (jnp.sum(flat ** 2, axis=1, keepdims=True)
                 + jnp.sum(codebook ** 2, axis=1)
                 - 2.0 * jnp.matmul(flat, codebook.T))
    indices = jnp.argmin(distances, axis=1)
    quantized = jnp.take(codebook, indices, axis=0).reshape(input_shape)
    # straight-through estimator
    quantized = inputs + jax.lax.stop_gradient(quantized - inputs)
    return (quantized, indices)

if __name__ == "__main__":
    import jax
    _d = setup_inputs()
    print(jax.jit(kernel)(*tuple(_d.values())))

</pallas_src>

<mosaic_0001>
#map = affine_map<(d0, d1) -> (0, 0)>
#map1 = affine_map<(d0, d1) -> (0, 0, 0)>
module attributes {stable_mosaic.version = 14 : i64} {
  func.func @gather_k(%arg0: i32, %arg1: i32, %arg2: memref<1024x128xf32, #tpu.memory_space<hbm>>, %arg3: memref<32x6x96xi32, #tpu.memory_space<hbm>>, %arg4: memref<18432x128xf32, #tpu.memory_space<hbm>>, %arg5: memref<6x96xi32, #tpu.memory_space<vmem>>, %arg6: memref<576x128xf32, #tpu.memory_space<vmem>>, %arg7: memref<1024x128xf32, #tpu.memory_space<vmem_shared>>, %arg8: memref<!tpu.dma_semaphore, #tpu.memory_space<semaphore_mem>>) attributes {dimension_semantics = [#tpu.dimension_semantics<core_parallel>, #tpu.dimension_semantics<subcore_parallel>], iteration_bounds = array<i64: 2, 16>, scalar_prefetch = 0 : i64, scratch_operands = 4 : i64, tpu.core_type = #tpu.core_type<sc_vector_subcore>, window_params = [{transform_indices = #map}, {transform_indices = #map1}, {transform_indices = #map}]} {
    %mul3A = arith.constant 2 : i32
    %mul3A_0 = arith.muli %arg1, %mul3A : i32
    %add3A = arith.addi %mul3A_0, %arg0 : i32
    %eq3A = arith.constant 0 : i32
    %eq3A_1 = arith.cmpi eq, %arg1, %eq3A : i32
    %convert_element_type3A = arith.extui %eq3A_1 : i1 to i32
    %cond3A = arith.constant 0 : i32
    %cond3A_2 = arith.cmpi ne, %convert_element_type3A, %cond3A : i32
    scf.if %cond3A_2 {
      "tpu.region"() ({
        %run_scoped3A = tpu.sem_alloc : memref<!tpu.dma_semaphore, #tpu.memory_space<semaphore_mem>>
        tpu.enqueue_dma source(%arg2 : memref<1024x128xf32, #tpu.memory_space<hbm>>) target(%arg7 : memref<1024x128xf32, #tpu.memory_space<vmem_shared>>) target_semaphore(%run_scoped3A : memref<!tpu.dma_semaphore, #tpu.memory_space<semaphore_mem>>)
        tpu.wait_dma2 semaphore(%run_scoped3A : memref<!tpu.dma_semaphore, #tpu.memory_space<semaphore_mem>>) src(%arg2 : memref<1024x128xf32, #tpu.memory_space<hbm>>) dst(%arg7 : memref<1024x128xf32, #tpu.memory_space<vmem_shared>>)
        tpu.yield
      }) : () -> ()
    } else {
    }
    "tpu.region"() ({
      %run_scoped3A = tpu.sem_alloc : memref<!tpu.dma_semaphore, #tpu.memory_space<semaphore_mem>>
      %dma_start3A_123 = arith.constant 0 : i32
      %dma_start3A_124 = arith.constant 0 : i32
      %dma_start3A_125 = tpu.memref_slice %arg3[%add3A, %dma_start3A_123, %dma_start3A_124] : memref<32x6x96xi32, #tpu.memory_space<hbm>> -> memref<1x6x96xi32, #tpu.memory_space<hbm>>
      %dma_start3A_126 = tpu.memref_squeeze %dma_start3A_125 : memref<1x6x96xi32, #tpu.memory_space<hbm>> -> memref<6x96xi32, #tpu.memory_space<hbm>>
      %dma_start3A_127 = arith.constant 0 : i32
      %dma_start3A_128 = arith.constant 0 : i32
      %dma_start3A_129 = tpu.memref_slice %arg3[%add3A, %dma_start3A_127, %dma_start3A_128] : memref<32x6x96xi32, #tpu.memory_space<hbm>> -> memref<1x6x96xi32, #tpu.memory_space<hbm>>
      %dma_start3A_130 = tpu.memref_squeeze %dma_start3A_129 : memref<1x6x96xi32, #tpu.memory_space<hbm>> -> memref<6x96xi32, #tpu.memory_space<hbm>>
      tpu.enqueue_dma source(%dma_start3A_130 : memref<6x96xi32, #tpu.memory_space<hbm>>) target(%arg5 : memref<6x96xi32, #tpu.memory_space<vmem>>) target_semaphore(%run_scoped3A : memref<!tpu.dma_semaphore, #tpu.memory_space<semaphore_mem>>)
      %dma_wait3A_131 = arith.constant 0 : i32
      %dma_wait3A_132 = arith.constant 0 : i32
      %dma_wait3A_133 = tpu.memref_slice %arg3[%add3A, %dma_wait3A_131, %dma_wait3A_132] : memref<32x6x96xi32, #tpu.memory_space<hbm>> -> memref<1x6x96xi32, #tpu.memory_space<hbm>>
      %dma_wait3A_134 = tpu.memref_squeeze %dma_wait3A_133 : memref<1x6x96xi32, #tpu.memory_space<hbm>> -> memref<6x96xi32, #tpu.memory_space<hbm>>
      %dma_wait3A_135 = arith.constant 0 : i32
      %dma_wait3A_136 = arith.constant 0 : i32
      %dma_wait3A_137 = tpu.memref_slice %arg3[%add3A, %dma_wait3A_135, %dma_wait3A_136] : memref<32x6x96xi32, #tpu.memory_space<hbm>> -> memref<1x6x96xi32, #tpu.memory_space<hbm>>
      %dma_wait3A_138 = tpu.memref_squeeze %dma_wait3A_137 : memref<1x6x96xi32, #tpu.memory_space<hbm>> -> memref<6x96xi32, #tpu.memory_space<hbm>>
      tpu.wait_dma2 semaphore(%run_scoped3A : memref<!tpu.dma_semaphore, #tpu.memory_space<semaphore_mem>>) src(%dma_wait3A_138 : memref<6x96xi32, #tpu.memory_space<hbm>>) dst(%arg5 : memref<6x96xi32, #tpu.memory_space<vmem>>)
      tpu.yield
    }) : () -> ()
    %barrier3A = arith.constant 0 : index
    tpu.barrier barrier_id(%barrier3A)
    %dma_start3A = arith.constant 0 : i32
    %dma_start3A_3 = arith.constant 0 : i32
    %dma_start3A_4 = arith.constant 0 : i32
    %dma_start3A_5 = tpu.memref_slice %arg6[%dma_start3A_3, %dma_start3A_4] : memref<576x128xf32, #tpu.memory_space<vmem>> -> memref<96x128xf32, #tpu.memory_space<vmem>>
    %dma_start3A_6 = arith.constant 0 : i32
    %dma_start3A_7 = tpu.memref_slice %arg5[%dma_start3A, %dma_start3A_6] : memref<6x96xi32, #tpu.memory_space<vmem>> -> memref<1x96xi32, #tpu.memory_space<vmem>>
    %dma_start3A_8 = tpu.memref_squeeze %dma_start3A_7 : memref<1x96xi32, #tpu.memory_space<vmem>> -> memref<96xi32, #tpu.memory_space<vmem>>
    %dma_start3A_9 = arith.constant 0 : i32
    %dma_start3A_10 = arith.constant 0 : i32
    %dma_start3A_11 = tpu.memref_slice %arg7[%dma_start3A_9, %dma_start3A_10] : memref<1024x128xf32, #tpu.memory_space<vmem_shared>> -> memref<1024x128xf32, #tpu.memory_space<vmem_shared>>
    tpu.enqueue_indirect_dma source(%dma_start3A_11 : memref<1024x128xf32, #tpu.memory_space<vmem_shared>>) target(%dma_start3A_5 : memref<96x128xf32, #tpu.memory_space<vmem>>) offsets(%dma_start3A_8 : memref<96xi32, #tpu.memory_space<vmem>>) semaphore(%arg8 : memref<!tpu.dma_semaphore, #tpu.memory_space<semaphore_mem>>)
    %dma_start3A_12 = arith.constant 1 : i32
    %dma_start3A_13 = arith.constant 96 : i32
    %dma_start3A_14 = arith.constant 0 : i32
    %dma_start3A_15 = tpu.memref_slice %arg6[%dma_start3A_13, %dma_start3A_14] : memref<576x128xf32, #tpu.memory_space<vmem>> -> memref<96x128xf32, #tpu.memory_space<vmem>>
    %dma_start3A_16 = arith.constant 0 : i32
    %dma_start3A_17 = tpu.memref_slice %arg5[%dma_start3A_12, %dma_start3A_16] : memref<6x96xi32, #tpu.memory_space<vmem>> -> memref<1x96xi32, #tpu.memory_space<vmem>>
    %dma_start3A_18 = tpu.memref_squeeze %dma_start3A_17 : memref<1x96xi32, #tpu.memory_space<vmem>> -> memref<96xi32, #tpu.memory_space<vmem>>
    %dma_start3A_19 = arith.constant 0 : i32
    %dma_start3A_20 = arith.constant 0 : i32
    %dma_start3A_21 = tpu.memref_slice %arg7[%dma_start3A_19, %dma_start3A_20] : memref<1024x128xf32, #tpu.memory_space<vmem_shared>> -> memref<1024x128xf32, #tpu.memory_space<vmem_shared>>
    tpu.enqueue_indirect_dma source(%dma_start3A_21 : memref<1024x128xf32, #tpu.memory_space<vmem_shared>>) target(%dma_start3A_15 : memref<96x128xf32, #tpu.memory_space<vmem>>) offsets(%dma_start3A_18 : memref<96xi32, #tpu.memory_space<vmem>>) semaphore(%arg8 : memref<!tpu.dma_semaphore, #tpu.memory_space<semaphore_mem>>)
    %dma_start3A_22 = arith.constant 2 : i32
    %dma_start3A_23 = arith.constant 192 : i32
    %dma_start3A_24 = arith.constant 0 : i32
    %dma_start3A_25 = tpu.memref_slice %arg6[%dma_start3A_23, %dma_start3A_24] : memref<576x128xf32, #tpu.memory_space<vmem>> -> memref<96x128xf32, #tpu.memory_space<vmem>>
    %dma_start3A_26 = arith.constant 0 : i32
    %dma_start3A_27 = tpu.memref_slice %arg5[%dma_start3A_22, %dma_start3A_26] : memref<6x96xi32, #tpu.memory_space<vmem>> -> memref<1x96xi32, #tpu.memory_space<vmem>>
    %dma_start3A_28 = tpu.memref_squeeze %dma_start3A_27 : memref<1x96xi32, #tpu.memory_space<vmem>> -> memref<96xi32, #tpu.memory_space<vmem>>
    %dma_start3A_29 = arith.constant 0 : i32
    %dma_start3A_30 = arith.constant 0 : i32
    %dma_start3A_31 = tpu.memref_slice %arg7[%dma_start3A_29, %dma_start3A_30] : memref<1024x128xf32, #tpu.memory_space<vmem_shared>> -> memref<1024x128xf32, #tpu.memory_space<vmem_shared>>
    tpu.enqueue_indirect_dma source(%dma_start3A_31 : memref<1024x128xf32, #tpu.memory_space<vmem_shared>>) target(%dma_start3A_25 : memref<96x128xf32, #tpu.memory_space<vmem>>) offsets(%dma_start3A_28 : memref<96xi32, #tpu.memory_space<vmem>>) semaphore(%arg8 : memref<!tpu.dma_semaphore, #tpu.memory_space<semaphore_mem>>)
    %dma_start3A_32 = arith.constant 3 : i32
    %dma_start3A_33 = arith.constant 288 : i32
    %dma_start3A_34 = arith.constant 0 : i32
    %dma_start3A_35 = tpu.memref_slice %arg6[%dma_start3A_33, %dma_start3A_34] : memref<576x128xf32, #tpu.memory_space<vmem>> -> memref<96x128xf32, #tpu.memory_space<vmem>>
    %dma_start3A_36 = arith.constant 0 : i32
    %dma_start3A_37 = tpu.memref_slice %arg5[%dma_start3A_32, %dma_start3A_36] : memref<6x96xi32, #tpu.memory_space<vmem>> -> memref<1x96xi32, #tpu.memory_space<vmem>>
    %dma_start3A_38 = tpu.memref_squeeze %dma_start3A_37 : memref<1x96xi32, #tpu.memory_space<vmem>> -> memref<96xi32, #tpu.memory_space<vmem>>
    %dma_start3A_39 = arith.constant 0 : i32
    %dma_start3A_40 = arith.constant 0 : i32
    %dma_start3A_41 = tpu.memref_slice %arg7[%dma_start3A_39, %dma_start3A_40] : memref<1024x128xf32, #tpu.memory_space<vmem_shared>> -> memref<1024x128xf32, #tpu.memory_space<vmem_shared>>
    tpu.enqueue_indirect_dma source(%dma_start3A_41 : memref<1024x128xf32, #tpu.memory_space<vmem_shared>>) target(%dma_start3A_35 : memref<96x128xf32, #tpu.memory_space<vmem>>) offsets(%dma_start3A_38 : memref<96xi32, #tpu.memory_space<vmem>>) semaphore(%arg8 : memref<!tpu.dma_semaphore, #tpu.memory_space<semaphore_mem>>)
    %dma_start3A_42 = arith.constant 4 : i32
    %dma_start3A_43 = arith.constant 384 : i32
    %dma_start3A_44 = arith.constant 0 : i32
    %dma_start3A_45 = tpu.memref_slice %arg6[%dma_start3A_43, %dma_start3A_44] : memref<576x128xf32, #tpu.memory_space<vmem>> -> memref<96x128xf32, #tpu.memory_space<vmem>>
    %dma_start3A_46 = arith.constant 0 : i32
    %dma_start3A_47 = tpu.memref_slice %arg5[%dma_start3A_42, %dma_start3A_46] : memref<6x96xi32, #tpu.memory_space<vmem>> -> memref<1x96xi32, #tpu.memory_space<vmem>>
    %dma_start3A_48 = tpu.memref_squeeze %dma_start3A_47 : memref<1x96xi32, #tpu.memory_space<vmem>> -> memref<96xi32, #tpu.memory_space<vmem>>
    %dma_start3A_49 = arith.constant 0 : i32
    %dma_start3A_50 = arith.constant 0 : i32
    %dma_start3A_51 = tpu.memref_slice %arg7[%dma_start3A_49, %dma_start3A_50] : memref<1024x128xf32, #tpu.memory_space<vmem_shared>> -> memref<1024x128xf32, #tpu.memory_space<vmem_shared>>
    tpu.enqueue_indirect_dma source(%dma_start3A_51 : memref<1024x128xf32, #tpu.memory_space<vmem_shared>>) target(%dma_start3A_45 : memref<96x128xf32, #tpu.memory_space<vmem>>) offsets(%dma_start3A_48 : memref<96xi32, #tpu.memory_space<vmem>>) semaphore(%arg8 : memref<!tpu.dma_semaphore, #tpu.memory_space<semaphore_mem>>)
    %dma_start3A_52 = arith.constant 5 : i32
    %dma_start3A_53 = arith.constant 480 : i32
    %dma_start3A_54 = arith.constant 0 : i32
    %dma_start3A_55 = tpu.memref_slice %arg6[%dma_start3A_53, %dma_start3A_54] : memref<576x128xf32, #tpu.memory_space<vmem>> -> memref<96x128xf32, #tpu.memory_space<vmem>>
    %dma_start3A_56 = arith.constant 0 : i32
    %dma_start3A_57 = tpu.memref_slice %arg5[%dma_start3A_52, %dma_start3A_56] : memref<6x96xi32, #tpu.memory_space<vmem>> -> memref<1x96xi32, #tpu.memory_space<vmem>>
    %dma_start3A_58 = tpu.memref_squeeze %dma_start3A_57 : memref<1x96xi32, #tpu.memory_space<vmem>> -> memref<96xi32, #tpu.memory_space<vmem>>
    %dma_start3A_59 = arith.constant 0 : i32
    %dma_start3A_60 = arith.constant 0 : i32
    %dma_start3A_61 = tpu.memref_slice %arg7[%dma_start3A_59, %dma_start3A_60] : memref<1024x128xf32, #tpu.memory_space<vmem_shared>> -> memref<1024x128xf32, #tpu.memory_space<vmem_shared>>
    tpu.enqueue_indirect_dma source(%dma_start3A_61 : memref<1024x128xf32, #tpu.memory_space<vmem_shared>>) target(%dma_start3A_55 : memref<96x128xf32, #tpu.memory_space<vmem>>) offsets(%dma_start3A_58 : memref<96xi32, #tpu.memory_space<vmem>>) semaphore(%arg8 : memref<!tpu.dma_semaphore, #tpu.memory_space<semaphore_mem>>)
    %dma_wait3A = arith.constant 0 : i32
    %dma_wait3A_62 = arith.constant 0 : i32
    %dma_wait3A_63 = arith.constant 0 : i32
    %dma_wait3A_64 = tpu.memref_slice %arg6[%dma_wait3A_62, %dma_wait3A_63] : memref<576x128xf32, #tpu.memory_space<vmem>> -> memref<96x128xf32, #tpu.memory_space<vmem>>
    %dma_wait3A_65 = arith.constant 0 : i32
    %dma_wait3A_66 = tpu.memref_slice %arg5[%dma_wait3A, %dma_wait3A_65] : memref<6x96xi32, #tpu.memory_space<vmem>> -> memref<1x96xi32, #tpu.memory_space<vmem>>
    %dma_wait3A_67 = tpu.memref_squeeze %dma_wait3A_66 : memref<1x96xi32, #tpu.memory_space<vmem>> -> memref<96xi32, #tpu.memory_space<vmem>>
    %dma_wait3A_68 = arith.constant 0 : i32
    %dma_wait3A_69 = arith.constant 0 : i32
    %dma_wait3A_70 = tpu.memref_slice %arg7[%dma_wait3A_68, %dma_wait3A_69] : memref<1024x128xf32, #tpu.memory_space<vmem_shared>> -> memref<1024x128xf32, #tpu.memory_space<vmem_shared>>
    tpu.wait_indirect_dma semaphore(%arg8 : memref<!tpu.dma_semaphore, #tpu.memory_space<semaphore_mem>>) src(%dma_wait3A_70 : memref<1024x128xf32, #tpu.memory_space<vmem_shared>>) dst(%dma_wait3A_64 : memref<96x128xf32, #tpu.memory_space<vmem>>)
    %dma_wait3A_71 = arith.constant 1 : i32
    %dma_wait3A_72 = arith.constant 96 : i32
    %dma_wait3A_73 = arith.constant 0 : i32
    %dma_wait3A_74 = tpu.memref_slice %arg6[%dma_wait3A_72, %dma_wait3A_73] : memref<576x128xf32, #tpu.memory_space<vmem>> -> memref<96x128xf32, #tpu.memory_space<vmem>>
    %dma_wait3A_75 = arith.constant 0 : i32
    %dma_wait3A_76 = tpu.memref_slice %arg5[%dma_wait3A_71, %dma_wait3A_75] : memref<6x96xi32, #tpu.memory_space<vmem>> -> memref<1x96xi32, #tpu.memory_space<vmem>>
    %dma_wait3A_77 = tpu.memref_squeeze %dma_wait3A_76 : memref<1x96xi32, #tpu.memory_space<vmem>> -> memref<96xi32, #tpu.memory_space<vmem>>
    %dma_wait3A_78 = arith.constant 0 : i32
    %dma_wait3A_79 = arith.constant 0 : i32
    %dma_wait3A_80 = tpu.memref_slice %arg7[%dma_wait3A_78, %dma_wait3A_79] : memref<1024x128xf32, #tpu.memory_space<vmem_shared>> -> memref<1024x128xf32, #tpu.memory_space<vmem_shared>>
    tpu.wait_indirect_dma semaphore(%arg8 : memref<!tpu.dma_semaphore, #tpu.memory_space<semaphore_mem>>) src(%dma_wait3A_80 : memref<1024x128xf32, #tpu.memory_space<vmem_shared>>) dst(%dma_wait3A_74 : memref<96x128xf32, #tpu.memory_space<vmem>>)
    %dma_wait3A_81 = arith.constant 2 : i32
    %dma_wait3A_82 = arith.constant 192 : i32
    %dma_wait3A_83 = arith.constant 0 : i32
    %dma_wait3A_84 = tpu.memref_slice %arg6[%dma_wait3A_82, %dma_wait3A_83] : memref<576x128xf32, #tpu.memory_space<vmem>> -> memref<96x128xf32, #tpu.memory_space<vmem>>
    %dma_wait3A_85 = arith.constant 0 : i32
    %dma_wait3A_86 = tpu.memref_slice %arg5[%dma_wait3A_81, %dma_wait3A_85] : memref<6x96xi32, #tpu.memory_space<vmem>> -> memref<1x96xi32, #tpu.memory_space<vmem>>
    %dma_wait3A_87 = tpu.memref_squeeze %dma_wait3A_86 : memref<1x96xi32, #tpu.memory_space<vmem>> -> memref<96xi32, #tpu.memory_space<vmem>>
    %dma_wait3A_88 = arith.constant 0 : i32
    %dma_wait3A_89 = arith.constant 0 : i32
    %dma_wait3A_90 = tpu.memref_slice %arg7[%dma_wait3A_88, %dma_wait3A_89] : memref<1024x128xf32, #tpu.memory_space<vmem_shared>> -> memref<1024x128xf32, #tpu.memory_space<vmem_shared>>
    tpu.wait_indirect_dma semaphore(%arg8 : memref<!tpu.dma_semaphore, #tpu.memory_space<semaphore_mem>>) src(%dma_wait3A_90 : memref<1024x128xf32, #tpu.memory_space<vmem_shared>>) dst(%dma_wait3A_84 : memref<96x128xf32, #tpu.memory_space<vmem>>)
    %dma_wait3A_91 = arith.constant 3 : i32
    %dma_wait3A_92 = arith.constant 288 : i32
    %dma_wait3A_93 = arith.constant 0 : i32
    %dma_wait3A_94 = tpu.memref_slice %arg6[%dma_wait3A_92, %dma_wait3A_93] : memref<576x128xf32, #tpu.memory_space<vmem>> -> memref<96x128xf32, #tpu.memory_space<vmem>>
    %dma_wait3A_95 = arith.constant 0 : i32
    %dma_wait3A_96 = tpu.memref_slice %arg5[%dma_wait3A_91, %dma_wait3A_95] : memref<6x96xi32, #tpu.memory_space<vmem>> -> memref<1x96xi32, #tpu.memory_space<vmem>>
    %dma_wait3A_97 = tpu.memref_squeeze %dma_wait3A_96 : memref<1x96xi32, #tpu.memory_space<vmem>> -> memref<96xi32, #tpu.memory_space<vmem>>
    %dma_wait3A_98 = arith.constant 0 : i32
    %dma_wait3A_99 = arith.constant 0 : i32
    %dma_wait3A_100 = tpu.memref_slice %arg7[%dma_wait3A_98, %dma_wait3A_99] : memref<1024x128xf32, #tpu.memory_space<vmem_shared>> -> memref<1024x128xf32, #tpu.memory_space<vmem_shared>>
    tpu.wait_indirect_dma semaphore(%arg8 : memref<!tpu.dma_semaphore, #tpu.memory_space<semaphore_mem>>) src(%dma_wait3A_100 : memref<1024x128xf32, #tpu.memory_space<vmem_shared>>) dst(%dma_wait3A_94 : memref<96x128xf32, #tpu.memory_space<vmem>>)
    %dma_wait3A_101 = arith.constant 4 : i32
    %dma_wait3A_102 = arith.constant 384 : i32
    %dma_wait3A_103 = arith.constant 0 : i32
    %dma_wait3A_104 = tpu.memref_slice %arg6[%dma_wait3A_102, %dma_wait3A_103] : memref<576x128xf32, #tpu.memory_space<vmem>> -> memref<96x128xf32, #tpu.memory_space<vmem>>
    %dma_wait3A_105 = arith.constant 0 : i32
    %dma_wait3A_106 = tpu.memref_slice %arg5[%dma_wait3A_101, %dma_wait3A_105] : memref<6x96xi32, #tpu.memory_space<vmem>> -> memref<1x96xi32, #tpu.memory_space<vmem>>
    %dma_wait3A_107 = tpu.memref_squeeze %dma_wait3A_106 : memref<1x96xi32, #tpu.memory_space<vmem>> -> memref<96xi32, #tpu.memory_space<vmem>>
    %dma_wait3A_108 = arith.constant 0 : i32
    %dma_wait3A_109 = arith.constant 0 : i32
    %dma_wait3A_110 = tpu.memref_slice %arg7[%dma_wait3A_108, %dma_wait3A_109] : memref<1024x128xf32, #tpu.memory_space<vmem_shared>> -> memref<1024x128xf32, #tpu.memory_space<vmem_shared>>
    tpu.wait_indirect_dma semaphore(%arg8 : memref<!tpu.dma_semaphore, #tpu.memory_space<semaphore_mem>>) src(%dma_wait3A_110 : memref<1024x128xf32, #tpu.memory_space<vmem_shared>>) dst(%dma_wait3A_104 : memref<96x128xf32, #tpu.memory_space<vmem>>)
    %dma_wait3A_111 = arith.constant 5 : i32
    %dma_wait3A_112 = arith.constant 480 : i32
    %dma_wait3A_113 = arith.constant 0 : i32
    %dma_wait3A_114 = tpu.memref_slice %arg6[%dma_wait3A_112, %dma_wait3A_113] : memref<576x128xf32, #tpu.memory_space<vmem>> -> memref<96x128xf32, #tpu.memory_space<vmem>>
    %dma_wait3A_115 = arith.constant 0 : i32
    %dma_wait3A_116 = tpu.memref_slice %arg5[%dma_wait3A_111, %dma_wait3A_115] : memref<6x96xi32, #tpu.memory_space<vmem>> -> memref<1x96xi32, #tpu.memory_space<vmem>>
    %dma_wait3A_117 = tpu.memref_squeeze %dma_wait3A_116 : memref<1x96xi32, #tpu.memory_space<vmem>> -> memref<96xi32, #tpu.memory_space<vmem>>
    %dma_wait3A_118 = arith.constant 0 : i32
    %dma_wait3A_119 = arith.constant 0 : i32
    %dma_wait3A_120 = tpu.memref_slice %arg7[%dma_wait3A_118, %dma_wait3A_119] : memref<1024x128xf32, #tpu.memory_space<vmem_shared>> -> memref<1024x128xf32, #tpu.memory_space<vmem_shared>>
    tpu.wait_indirect_dma semaphore(%arg8 : memref<!tpu.dma_semaphore, #tpu.memory_space<semaphore_mem>>) src(%dma_wait3A_120 : memref<1024x128xf32, #tpu.memory_space<vmem_shared>>) dst(%dma_wait3A_114 : memref<96x128xf32, #tpu.memory_space<vmem>>)
    %mul3A_121 = arith.constant 576 : i32
    %mul3A_122 = arith.muli %add3A, %mul3A_121 : i32
    "tpu.region"() ({
      %run_scoped3A = tpu.sem_alloc : memref<!tpu.dma_semaphore, #tpu.memory_space<semaphore_mem>>
      %dma_start3A_123 = arith.constant 0 : i32
      %dma_start3A_124 = tpu.memref_slice %arg4[%mul3A_122, %dma_start3A_123] : memref<18432x128xf32, #tpu.memory_space<hbm>> -> memref<576x128xf32, #tpu.memory_space<hbm>>
      %dma_start3A_125 = arith.constant 0 : i32
      %dma_start3A_126 = tpu.memref_slice %arg4[%mul3A_122, %dma_start3A_125] : memref<18432x128xf32, #tpu.memory_space<hbm>> -> memref<576x128xf32, #tpu.memory_space<hbm>>
      tpu.enqueue_dma source(%arg6 : memref<576x128xf32, #tpu.memory_space<vmem>>) target(%dma_start3A_126 : memref<576x128xf32, #tpu.memory_space<hbm>>) target_semaphore(%run_scoped3A : memref<!tpu.dma_semaphore, #tpu.memory_space<semaphore_mem>>)
      %dma_wait3A_127 = arith.constant 0 : i32
      %dma_wait3A_128 = tpu.memref_slice %arg4[%mul3A_122, %dma_wait3A_127] : memref<18432x128xf32, #tpu.memory_space<hbm>> -> memref<576x128xf32, #tpu.memory_space<hbm>>
      %dma_wait3A_129 = arith.constant 0 : i32
      %dma_wait3A_130 = tpu.memref_slice %arg4[%mul3A_122, %dma_wait3A_129] : memref<18432x128xf32, #tpu.memory_space<hbm>> -> memref<576x128xf32, #tpu.memory_space<hbm>>
      tpu.wait_dma2 semaphore(%run_scoped3A : memref<!tpu.dma_semaphore, #tpu.memory_space<semaphore_mem>>) src(%arg6 : memref<576x128xf32, #tpu.memory_space<vmem>>) dst(%dma_wait3A_130 : memref<576x128xf32, #tpu.memory_space<hbm>>)
      tpu.yield
    }) : () -> ()
    return
  }
}

module attributes {stable_mosaic.version = 14 : i64} {
  func.func @_vq_idx_tile(%arg0: i32, %arg1: memref<32x64x576xf32, #tpu.memory_space<hbm>>, %arg2: memref<64x1024xf32, #tpu.memory_space<vmem>>, %arg3: memref<1024x1xf32, #tpu.memory_space<vmem>>, %arg4: memref<1x1x1152xi32, #tpu.memory_space<vmem>>, %arg5: memref<2x2x64x576xf32, #tpu.memory_space<vmem>>, %arg6: memref<2x!tpu.dma_semaphore, #tpu.memory_space<semaphore_mem>>) attributes {dimension_semantics = [#tpu.dimension_semantics<arbitrary>], iteration_bounds = array<i64: 16>, scalar_prefetch = 0 : i64, scratch_operands = 2 : i64, tpu.core_type = #tpu.core_type<tc>, window_params = [{}, {pipeline_mode = #tpu.pipeline_mode<synchronous>, transform_indices = @transform_1, window_bounds = array<i64: 64, 1024>}, {pipeline_mode = #tpu.pipeline_mode<synchronous>, transform_indices = @transform_2, window_bounds = array<i64: 1024, 1>}, {transform_indices = @transform_3, window_bounds = array<i64: 1, 1, 1152>}]} {
    %rem3A = arith.constant 2 : i32
    %rem3A_0 = arith.remsi %arg0, %rem3A : i32
    %add3A = arith.constant 1 : i32
    %add3A_1 = arith.addi %arg0, %add3A : i32
    %rem3A_2 = arith.constant 2 : i32
    %rem3A_3 = arith.remsi %add3A_1, %rem3A_2 : i32
    %eq3A = arith.constant 0 : i32
    %eq3A_4 = arith.cmpi eq, %arg0, %eq3A : i32
    %convert_element_type3A = arith.extui %eq3A_4 : i1 to i32
    %cond3A = arith.constant 0 : i32
    %cond3A_5 = arith.cmpi ne, %convert_element_type3A, %cond3A : i32
    scf.if %cond3A_5 {
      %dma_start3A = arith.constant 0 : i32
      %dma_start3A_60 = arith.constant 0 : i32
      %dma_start3A_61 = tpu.memref_slice %arg6[%dma_start3A_60] : memref<2x!tpu.dma_semaphore, #tpu.memory_space<semaphore_mem>> -> memref<1x!tpu.dma_semaphore, #tpu.memory_space<semaphore_mem>>
      %dma_start3A_62 = tpu.memref_squeeze %dma_start3A_61 : memref<1x!tpu.dma_semaphore, #tpu.memory_space<semaphore_mem>> -> memref<!tpu.dma_semaphore, #tpu.memory_space<semaphore_mem>>
      %dma_start3A_63 = arith.constant 0 : i32
      %dma_start3A_64 = arith.constant 0 : i32
      %dma_start3A_65 = arith.constant 0 : i32
      %dma_start3A_66 = tpu.memref_slice %arg5[%dma_start3A, %dma_start3A_63, %dma_start3A_64, %dma_start3A_65] : memref<2x2x64x576xf32, #tpu.memory_space<vmem>> -> memref<1x2x64x576xf32, #tpu.memory_space<vmem>>
      %dma_start3A_67 = tpu.memref_squeeze %dma_start3A_66 : memref<1x2x64x576xf32, #tpu.memory_space<vmem>> -> memref<2x64x576xf32, #tpu.memory_space<vmem>>
      %dma_start3A_68 = arith.constant 0 : i32
      %dma_start3A_69 = arith.constant 0 : i32
      %dma_start3A_70 = arith.constant 0 : i32
      %dma_start3A_71 = tpu.memref_slice %arg1[%dma_start3A_68, %dma_start3A_69, %dma_start3A_70] : memref<32x64x576xf32, #tpu.memory_space<hbm>> -> memref<2x64x576xf32, #tpu.memory_space<hbm>>
      tpu.enqueue_dma source(%dma_start3A_71 : memref<2x64x576xf32, #tpu.memory_space<hbm>>) target(%dma_start3A_67 : memref<2x64x576xf32, #tpu.memory_space<vmem>>) target_semaphore(%dma_start3A_62 : memref<!tpu.dma_semaphore, #tpu.memory_space<semaphore_mem>>)
    } else {
    }
    %add3A_6 = arith.constant 1 : i32
    %add3A_7 = arith.addi %arg0, %add3A_6 : i32
    %lt3A = arith.constant 16 : i32
    %lt3A_8 = arith.cmpi slt, %add3A_7, %lt3A : i32
    %convert_element_type3A_9 = arith.extui %lt3A_8 : i1 to i32
    %cond3A_10 = arith.constant 0 : i32
    %cond3A_11 = arith.cmpi ne, %convert_element_type3A_9, %cond3A_10 : i32
    scf.if %cond3A_11 {
      %add3A_60 = arith.constant 1 : i32
      %add3A_61 = arith.addi %arg0, %add3A_60 : i32
      %mul3A_62 = arith.constant 2 : i32
      %mul3A_63 = arith.muli %add3A_61, %mul3A_62 : i32
      %dma_start3A = tpu.memref_slice %arg6[%rem3A_3] : memref<2x!tpu.dma_semaphore, #tpu.memory_space<semaphore_mem>> -> memref<1x!tpu.dma_semaphore, #tpu.memory_space<semaphore_mem>>
      %dma_start3A_64 = tpu.memref_squeeze %dma_start3A : memref<1x!tpu.dma_semaphore, #tpu.memory_space<semaphore_mem>> -> memref<!tpu.dma_semaphore, #tpu.memory_space<semaphore_mem>>
      %dma_start3A_65 = arith.constant 0 : i32
      %dma_start3A_66 = arith.constant 0 : i32
      %dma_start3A_67 = arith.constant 0 : i32
      %dma_start3A_68 = tpu.memref_slice %arg5[%rem3A_3, %dma_start3A_65, %dma_start3A_66, %dma_start3A_67] : memref<2x2x64x576xf32, #tpu.memory_space<vmem>> -> memref<1x2x64x576xf32, #tpu.memory_space<vmem>>
      %dma_start3A_69 = tpu.memref_squeeze %dma_start3A_68 : memref<1x2x64x576xf32, #tpu.memory_space<vmem>> -> memref<2x64x576xf32, #tpu.memory_space<vmem>>
      %dma_start3A_70 = arith.constant 0 : i32
      %dma_start3A_71 = arith.constant 0 : i32
      %dma_start3A_72 = tpu.memref_slice %arg1[%mul3A_63, %dma_start3A_70, %dma_start3A_71] : memref<32x64x576xf32, #tpu.memory_space<hbm>> -> memref<2x64x576xf32, #tpu.memory_space<hbm>>
      tpu.enqueue_dma source(%dma_start3A_72 : memref<2x64x576xf32, #tpu.memory_space<hbm>>) target(%dma_start3A_69 : memref<2x64x576xf32, #tpu.memory_space<vmem>>) target_semaphore(%dma_start3A_64 : memref<!tpu.dma_semaphore, #tpu.memory_space<semaphore_mem>>)
    } else {
    }
    %mul3A = arith.constant 2 : i32
    %mul3A_12 = arith.muli %arg0, %mul3A : i32
    %dma_wait3A = tpu.memref_slice %arg6[%rem3A_0] : memref<2x!tpu.dma_semaphore, #tpu.memory_space<semaphore_mem>> -> memref<1x!tpu.dma_semaphore, #tpu.memory_space<semaphore_mem>>
    %dma_wait3A_13 = tpu.memref_squeeze %dma_wait3A : memref<1x!tpu.dma_semaphore, #tpu.memory_space<semaphore_mem>> -> memref<!tpu.dma_semaphore, #tpu.memory_space<semaphore_mem>>
    %dma_wait3A_14 = arith.constant 0 : i32
    %dma_wait3A_15 = arith.constant 0 : i32
    %dma_wait3A_16 = arith.constant 0 : i32
    %dma_wait3A_17 = tpu.memref_slice %arg5[%rem3A_0, %dma_wait3A_14, %dma_wait3A_15, %dma_wait3A_16] : memref<2x2x64x576xf32, #tpu.memory_space<vmem>> -> memref<1x2x64x576xf32, #tpu.memory_space<vmem>>
    %dma_wait3A_18 = tpu.memref_squeeze %dma_wait3A_17 : memref<1x2x64x576xf32, #tpu.memory_space<vmem>> -> memref<2x64x576xf32, #tpu.memory_space<vmem>>
    %dma_wait3A_19 = arith.constant 0 : i32
    %dma_wait3A_20 = arith.constant 0 : i32
    %dma_wait3A_21 = tpu.memref_slice %arg1[%mul3A_12, %dma_wait3A_19, %dma_wait3A_20] : memref<32x64x576xf32, #tpu.memory_space<hbm>> -> memref<2x64x576xf32, #tpu.memory_space<hbm>>
    tpu.wait_dma2 semaphore(%dma_wait3A_13 : memref<!tpu.dma_semaphore, #tpu.memory_space<semaphore_mem>>) src(%dma_wait3A_21 : memref<2x64x576xf32, #tpu.memory_space<hbm>>) dst(%dma_wait3A_18 : memref<2x64x576xf32, #tpu.memory_space<vmem>>)
    %get3A = arith.index_cast %rem3A_0 : i32 to index
    %get3A_22 = arith.constant 0 : index
    %get3A_23 = arith.constant 0 : index
    %get3A_24 = arith.constant 0 : index
    %get3A_25 = vector.load %arg5[%get3A, %get3A_22, %get3A_23, %get3A_24] : memref<2x2x64x576xf32, #tpu.memory_space<vmem>>, vector<1x1x64x576xf32>
    %get3A_26 = vector.shape_cast %get3A_25 : vector<1x1x64x576xf32> to vector<64x576xf32>
    %get3A_27 = arith.index_cast %rem3A_0 : i32 to index
    %get3A_28 = arith.constant 1 : index
    %get3A_29 = arith.constant 0 : index
    %get3A_30 = arith.constant 0 : index
    %get3A_31 = vector.load %arg5[%get3A_27, %get3A_28, %get3A_29, %get3A_30] : memref<2x2x64x576xf32, #tpu.memory_space<vmem>>, vector<1x1x64x576xf32>
    %get3A_32 = vector.shape_cast %get3A_31 : vector<1x1x64x576xf32> to vector<64x576xf32>
    %concatenate3A = tpu.concatenate %get3A_26, %get3A_32 in 1 : vector<64x576xf32>, vector<64x576xf32> -> vector<64x1152xf32>
    %mul3A_33 = arith.mulf %concatenate3A, %concatenate3A : vector<64x1152xf32>
    %reduce_sum3A = arith.constant dense<0.000000e+00> : vector<1152xf32>
    %reduce_sum3A_34 = vector.multi_reduction <add>, %mul3A_33, %reduce_sum3A [0] : vector<64x1152xf32> to vector<1152xf32>
    %broadcast_in_dim3A = vector.shape_cast %reduce_sum3A_34 : vector<1152xf32> to vector<1x1152xf32>
    %get3A_35 = arith.constant 0 : index
    %get3A_36 = arith.constant 0 : index
    %get3A_37 = vector.load %arg2[%get3A_35, %get3A_36] : memref<64x1024xf32, #tpu.memory_space<vmem>>, vector<64x1024xf32>
    %dot_general3A = arith.constant dense<0.000000e+00> : vector<1024x1152xf32>
    %dot_general3A_38 = tpu.matmul %get3A_37, %concatenate3A, %dot_general3A {dimension_numbers = #tpu.dot_dimension_numbers<[0], [0], [1], [1], [0, 1, 1, 1], [], []>, transpose_lhs_hint = false} : vector<64x1024xf32>, vector<64x1152xf32>, vector<1024x1152xf32> -> vector<1024x1152xf32>
    %get3A_39 = arith.constant 0 : index
    %get3A_40 = arith.constant 0 : index
    %get3A_41 = vector.load %arg3[%get3A_39, %get3A_40] : memref<1024x1xf32, #tpu.memory_space<vmem>>, vector<1024x1xf32>
    %add3A_42 = vector.broadcast %broadcast_in_dim3A : vector<1x1152xf32> to vector<1024x1152xf32>
    %add3A_43 = vector.broadcast %get3A_41 : vector<1024x1xf32> to vector<1024x1152xf32>
    %add3A_44 = arith.addf %add3A_42, %add3A_43 : vector<1024x1152xf32>
    %sub3A = arith.subf %add3A_44, %dot_general3A_38 : vector<1024x1152xf32>
    %reduce_min3A = arith.constant dense<0x7F800000> : vector<1152xf32>
    %reduce_min3A_45 = vector.multi_reduction <minimumf>, %sub3A, %reduce_min3A [0] : vector<1024x1152xf32> to vector<1152xf32>
    %broadcast_in_dim3A_46 = vector.shape_cast %reduce_min3A_45 : vector<1152xf32> to vector<1x1152xf32>
    %iota3A = tpu.iota {dimensions = array<i32: 0>} : vector<1024x1xi32>
    %convert_element_type3A_47 = arith.sitofp %iota3A : vector<1024x1xi32> to vector<1024x1xf32>
    %eq3A_48 = vector.broadcast %broadcast_in_dim3A_46 : vector<1x1152xf32> to vector<1024x1152xf32>
    %eq3A_49 = arith.cmpf oeq, %sub3A, %eq3A_48 : vector<1024x1152xf32>
    %jit3A = arith.constant 1.024000e+03 : f32
    %broadcast_in_dim3A_50 = vector.shape_cast %convert_element_type3A_47 : vector<1024x1xf32> to vector<1024x1xf32>
    %broadcast_in_dim3A_51 = vector.broadcast %broadcast_in_dim3A_50 : vector<1024x1xf32> to vector<1024x1152xf32>
    %broadcast_in_dim3A_52 = vector.broadcast %jit3A : f32 to vector<1024x1152xf32>
    %select_n3A = arith.select %eq3A_49, %broadcast_in_dim3A_51, %broadcast_in_dim3A_52 : vector<1024x1152xi1>, vector<1024x1152xf32>
    %reduce_min3A_53 = arith.constant dense<0x7F800000> : vector<1152xf32>
    %reduce_min3A_54 = vector.multi_reduction <minimumf>, %select_n3A, %reduce_min3A_53 [0] : vector<1024x1152xf32> to vector<1152xf32>
    %broadcast_in_dim3A_55 = vector.shape_cast %reduce_min3A_54 : vector<1152xf32> to vector<1x1152xf32>
    %convert_element_type3A_56 = arith.fptosi %broadcast_in_dim3A_55 : vector<1x1152xf32> to vector<1x1152xi32>
    %reshape3A = vector.shape_cast %convert_element_type3A_56 : vector<1x1152xi32> to vector<1x1x1152xi32>
    %swap3A = arith.constant 0 : index
    %swap3A_57 = arith.constant 0 : index
    %swap3A_58 = arith.constant 0 : index
    %swap3A_59 = vector.load %arg4[%swap3A, %swap3A_57, %swap3A_58] : memref<1x1x1152xi32, #tpu.memory_space<vmem>>, vector<1x1x1152xi32>
    tpu.vector_store %arg4[%swap3A, %swap3A_57, %swap3A_58], %reshape3A {strides = array<i32>} : memref<1x1x1152xi32, #tpu.memory_space<vmem>>, vector<1x1x1152xi32>,
    return
  }
  func.func @transform_1(%arg0: i32) -> (i32, i32) {
    %c0_i32 = arith.constant 0 : i32
    %c0_i32_0 = arith.constant 0 : i32
    %c0_i32_1 = arith.constant 0 : i32
    return %c0_i32, %c0_i32_0 : i32, i32
  }
  func.func @transform_2(%arg0: i32) -> (i32, i32) {
    %c0_i32 = arith.constant 0 : i32
    %c0_i32_0 = arith.constant 0 : i32
    %c0_i32_1 = arith.constant 0 : i32
    return %c0_i32, %c0_i32_0 : i32, i32
  }
  func.func @transform_3(%arg0: i32) -> (i32, i32, i32) {
    %c0_i32 = arith.constant 0 : i32
    %c0_i32_0 = arith.constant 0 : i32
    %c0_i32_1 = arith.constant 0 : i32
    return %arg0, %c0_i32, %c0_i32_0 : i32, i32, i32
  }
}

</mosaic_0001>

<sc_bundles>
// kernel: kernel.4.cloned.1.call-start
scs
__scs_entry_jumppad:
0x0: {  	(pc) =	sbr.rel $0x88, $3  }
0x1: {  	(tag) =	ssettag $0x0;
	lr =	simm.s32 $0x1  }
0x2: {  	[smem:$0x3F9F] =	sst lr;
	_ =	strace $0xD0000000  }
0x3: {  	_ = 	snop  }
0x4: {  	_ = 	snop  }
0x5: {  	_ = 	snop  }
0x6: {  	_ = 	snop  }
0x7: {  	_ = 	snop  }
__scs_overlays_trampoline_lowered:
0x8: {  	[smem:$0x3FAE] =	sst s0  }
0x9: {  	[smem:$0x3FAF] =	sst s1  }
0xa: {  	[smem:$0x3FB0] =	sst s2  }
0xb: {  	[smem:$0x3FB1] =	sst s3  }
0xc: {  	[smem:$0x3FB2] =	sst s4  }
0xd: {  	[smem:$0x3FB3] =	sst s5  }
0xe: {  	[smem:$0x3FB4] =	sst s6  }
0xf: {  	[smem:$0x3FB5] =	sst s7  }
0x10: {  	[smem:$0x3FB6] =	sst s8  }
0x11: {  	[smem:$0x3FB7] =	sst s9;
	s0 =	simm.s32 @!p0 $0x0  }
0x12: {  	s1 =	sld [smem:$0x3F9D];
	s0 =	simm.s32 @p0 $0x1  }
0x13: {  	[smem:$0x3FB8] =	sst s0;
	s0 =	simm.s32 @!p1 $0x0  }
0x14: {  	s2 =	sld [smem:$0x3F9C];
	s0 =	simm.s32 @p1 $0x1  }
0x15: {  	[smem:$0x3FB9] =	sst s0;
	s0 =	simm.s32 @!p2 $0x0  }
0x16: {  	s3 =	sld [smem:$0x3FDB];
	s0 =	simm.s32 @p2 $0x1  }
0x17: {  	s4 =	simm.s32 $0x1BF5;
	[smem:$0x3FBB] =	sst s0  }
0x18: {  	s0 =	sld [smem:$0x3F9E];
	_ =	swait.ge [sflag:s4], $0x0  }
0x19: {  	s7 =	sld [smem:$0x3F9F]  }
0x1a: {  	s8 =	sadd.s32 $0xFFFFE003, lr  }
0x1b: {  	s9 =	sadd.s32 $0xFFFFFEF7, lr;
	s5 =	simm.s32 $0xFFFFFFFF;
	p2 =	slt.u32 s8, $0xFFFFF086  }
0x1c: {  	p1 =	slt.u32 s9, $0xF7A;
	s5 =	simm.s32 @!p2 $0x0  }
0x1d: {  	s5 =	simm.s32 @p1 $0x1;
	p0 =	seq.s32 s7, s2  }
0x1e: {  	s7 =	smul.u32 @!p0 $0xF7A, s2;
	p2 =	seq.s32 @!p0 s5, $0x0  }
0x1f: {  	s9 =	smul.u32 $0xF7A, s1;
	s8 =	simm.s32 @!p0 $0x1BF5;
	p2 =	por !p2, p0  }
0x20: {  	[sflag:s8] =	ssyncset.s32 @!p0 $0xFFFFF086;
	s6 =	sadd.s32 @!p0 s3, s7;
	s7 =	simm.s32 @!p0 $0x108  }
0x21: {  	s3 =	sadd.s32 s3, s9;
	s6 =	sadd.s32 @!p0 $0x88, s6;
	s7 =	simm.s32 @p2 $0x1082  }
0x22: {  	[simem:s7], [sflag:s8] =	dma.local @!p0 [hbm:s6], $0xF7A  }
0x23: {  	s9 =	sor.u32 $0xD0000000, s2;
	s6 =	simm.s32 $0x108;
	_ =	swait.ge @!p0 [sflag:s8], $0x0  }
0x24: {  	s3 =	sadd.s32 $0x88, s3;
	s6 =	simm.s32 @!p1 $0x1082;
	[sflag:s4] =	ssyncset.s32 $0xFFFFF086  }
0x25: {  	[simem:s6], [sflag:s4] =	dma.local [hbm:s3], $0xF7A  }
0x26: {  	[smem:$0x3F9F] =	sst s1;
	(tag) =	ssettag s2;
	_ =	strace s9  }
0x27: {  	s1 =	sld [smem:$0x3FAF]  }
0x28: {  	s2 =	sld [smem:$0x3FB0]  }
0x29: {  	s4 =	sld [smem:$0x3FB2]  }
0x2a: {  	p0 =	seq.s32 s5, $0x0;
	s5 =	sld [smem:$0x3FB3]  }
0x2b: {  	s6 =	sld [smem:$0x3FB4]  }
0x2c: {  	s7 =	sld [smem:$0x3FB5]  }
0x2d: {  	s3 =	simm.s32 $0x108;
	s8 =	sld [smem:$0x3FB6]  }
0x2e: {  	s3 =	simm.s32 @!p0 $0x1082;
	s9 =	sld [smem:$0x3FB7]  }
0x2f: {  	lr =	sadd.s32 s0, s3;
	s0 =	sld [smem:$0x3FAE]  }
0x30: {  	s3 =	sld [smem:$0x3FB1]  }
0x31: {  	[smem:$0x3FBA] =	sst s10  }
0x32: {  	s10 =	sld [smem:$0x3FB8];
	_ =	sdelay $0x3  }
0x33: {  	p0 =	seq.s32 s10, $0x1;
	s10 =	sld [smem:$0x3FBA];
	_ =	sdelay $0x3  }
0x34: {  	[smem:$0x3FBA] =	sst s10  }
0x35: {  	s10 =	sld [smem:$0x3FB9];
	_ =	sdelay $0x3  }
0x36: {  	p1 =	seq.s32 s10, $0x1;
	s10 =	sld [smem:$0x3FBA];
	_ =	sdelay $0x3  }
0x37: {  	[smem:$0x3FBA] =	sst s10  }
0x38: {  	s10 =	sld [smem:$0x3FBB]  }
0x39: {  	_ = 	snop;
	(pc) =	sbr.ind lr, $3  }
0x3a: {  	_ = 	snop  }
0x3b: {  	_ = 	snop  }
0x3c: {  	p2 =	seq.s32 s10, $0x1;
	s10 =	sld [smem:$0x3FBA]  }
0x3d: {  	_ =	shalt  }
0x3e: {  	_ =	shalt  }
0x3f: {  	_ =	shalt  }
0x40: {  	_ =	shalt  }
0x41: {  	_ =	shalt  }
0x42: {  	_ =	shalt  }
0x43: {  	_ =	shalt  }
0x44: {  	_ =	shalt  }
0x45: {  	_ =	shalt  }
0x46: {  	_ =	shalt  }
0x47: {  	_ =	shalt  }
0x48: {  	_ =	shalt  }
0x49: {  	_ =	shalt  }
0x4a: {  	_ =	shalt  }
0x4b: {  	_ =	shalt  }
0x4c: {  	_ =	shalt  }
0x4d: {  	_ =	shalt  }
0x4e: {  	_ =	shalt  }
0x4f: {  	_ =	shalt  }
0x50: {  	_ =	shalt  }
0x51: {  	_ =	shalt  }
0x52: {  	_ =	shalt  }
0x53: {  	_ =	shalt  }
0x54: {  	_ =	shalt  }
0x55: {  	_ =	shalt  }
0x56: {  	_ =	shalt  }
0x57: {  	_ =	shalt  }
0x58: {  	_ =	shalt  }
0x59: {  	_ =	shalt  }
0x5a: {  	_ =	shalt  }
0x5b: {  	_ =	shalt  }
0x5c: {  	_ =	shalt  }
0x5d: {  	_ =	shalt  }
0x5e: {  	_ =	shalt  }
0x5f: {  	_ =	shalt  }
0x60: {  	_ =	shalt  }
0x61: {  	_ =	shalt  }
0x62: {  	_ =	shalt  }
0x63: {  	_ =	shalt  }
0x64: {  	_ =	shalt  }
0x65: {  	_ =	shalt  }
0x66: {  	_ =	shalt  }
0x67: {  	_ =	shalt  }
0x68: {  	_ =	shalt  }
0x69: {  	_ =	shalt  }
0x6a: {  	_ =	shalt  }
0x6b: {  	_ =	shalt  }
0x6c: {  	_ =	shalt  }
0x6d: {  	_ =	shalt  }
0x6e: {  	_ =	shalt  }
0x6f: {  	_ =	shalt  }
0x70: {  	_ =	shalt  }
0x71: {  	_ =	shalt  }
0x72: {  	_ =	shalt  }
0x73: {  	_ =	shalt  }
0x74: {  	_ =	shalt  }
0x75: {  	_ =	shalt  }
0x76: {  	_ =	shalt  }
0x77: {  	_ =	shalt  }
0x78: {  	_ =	shalt  }
0x79: {  	_ =	shalt  }
0x7a: {  	_ =	shalt  }
0x7b: {  	_ =	shalt  }
0x7c: {  	_ =	shalt  }
0x7d: {  	_ =	shalt  }
0x7e: {  	_ =	shalt  }
0x7f: {  	_ =	shalt  }
0x80: {  	_ =	shalt  }
0x81: {  	_ =	shalt  }
0x82: {  	_ =	shalt  }
0x83: {  	_ =	shalt  }
0x84: {  	_ =	shalt  }
0x85: {  	_ =	shalt  }
0x86: {  	_ =	shalt  }
0x87: {  	_ =	shalt  }
.Lfunc_end0:
.L_simem_size_0:
called_computation_lowered:
.L_overlay_start_0:
0x88: {  	s2 =	sld [smem:$0x3FD9]  }
0x89: {  	s3 =	sld [smem:$0x3FFE];
	_ =	sdelay $0x1  }
0x8a: {  	s1 =	srdreg.scid  }
0x8b: {  	s0 =	sand.u32 $0x1, s1  }
0x8c: {  	s14 =	sshll.u32 s0, $0xA;
	s2 =	sadd.s32 s3, s2  }
0x8d: {  	s2 =	sadd.s32 s2, s14  }
0x8e: {  	[smem:$0x3FC6] =	sst s2  }
0x8f: {  	_ = 	snop  }
0x90: {  	s2 =	sld [smem:$0x3FD0];
	_ =	sdelay $0x2  }
0x91: {  	s15 =	simm.s32 $0xA;
	s4 =	simm.s32 $0x10  }
0x92: {  	[smem:s4], [sflag:s15] =	dma.local [hbm:s2], $0x1  }
0x93: {  	_ =	swait.eq [sflag:s15], $0x1  }
0x94: {  	[sflag:s15] =	ssyncset.done $0x0  }
0x95: {  	[sflag:s15] =	ssyncadd.s32 $0xFFFFFFFF  }
0x96: {  	s16 =	sld [smem:$0x10];
	(tm) =	ssettm $0x1  }
0x97: {  	s17 =	sld [smem:$0x3FFB];
	_ =	sdelay $0x3  }
0x98: {  	_ =	strace s17  }
0x99: {  	s3 =	sld [smem:$0x3FFC];
	_ =	sdelay $0x3  }
0x9a: {  	_ =	strace s3  }
0x9b: {  	s3 =	sld [smem:$0x3FFD];
	_ =	sdelay $0x3  }
0x9c: {  	_ =	strace s3  }
0x9d: {  	_ =	strace $0x8FFFFFFF  }
0x9e: {  	s18 =	sld [smem:$0x3FDB];
	_ =	sdelay $0x1  }
0x9f: {  	s19 =	simm.s32 $_scs_section_size  }
0xa0: {  	s5 =	simm.s32 $_size__tile_overlayer_lowered;
	s6 =	simm.s32 $_tile_overlayer_lowered  }
0xa1: {  	s22 =	simm.s32 $0x1BFF;
	s21 =	sshll.u32 s6, $0x1;
	s3 =	sadd.s32 s19, s18  }
0xa2: {  	s7 =	simm.s32 $0x0;
	s20 =	sshll.u32 s5, $0x1;
	s5 =	sadd.s32 s21, s3  }
0xa3: {  	[timem:s7], [sflag:s22] =	dma.local [hbm:s5], s20  }
0xa4: {  	_ =	swait.ge [sflag:s22], s20  }
0xa5: {  	s4 =	ssub.s32 $0x0, s20;
	[sflag:s22] =	ssyncset.done $0x0  }
0xa6: {  	[sflag:s22] =	ssyncadd.s32 s4;
	_ =	sdelay $0x1  }
0xa7: {  	s23 =	simm.s32 $0x1B8B  }
0xa8: {  	_ =	swait.ge [sflag:s23], $0x1  }
0xa9: {  	[sflag:s23] =	ssyncset.done $0x0  }
0xaa: {  	s25 =	simm.s32 $0x1B8E;
	s24 =	sld [smem:$0x3FFE];
	[sflag:s23] =	ssyncadd.s32 $0xFFFFFFFF  }
0xab: {  	s26 =	simm.s32 $execute0_lowered;
	[smem:$0x3FD2] =	sst s25  }
0xac: {  	s5 =	sshll.u32 s26, $0x1;
	_ =	strace $0x80000046;
	[dreg:$0x1] =	wrdreg $0xFFFFFFFF  }
0xad: {  	s28 =	simm.s32 $_size_execute0_lowered;
	s3 =	sadd.s32 s3, s5;
	[dreg:$0x0] =	wrdreg $0x0  }
0xae: {  	s5 =	sshll.u32 s28, $0x1;
	[dreg:$0x2] =	wrdreg s3  }
0xaf: {  	[dreg:$0x3] =	wrdreg s5  }
0xb0: {  	[dreg:$0x4] =	wrdreg $0xC0  }
0xb1: {  	_ =	task [dreg:s7], $0x5FFFF  }
0xb2: {  	[dreg:$0x1] =	wrdreg $0xFFFFFFFF  }
0xb3: {  	[dreg:$0x0] =	wrdreg $0x60  }
0xb4: {  	[dreg:$0x2] =	wrdreg s16  }
0xb5: {  	[dreg:$0x3] =	wrdreg s24  }
0xb6: {  	[dreg:$0x4] =	wrdreg $0x124000  }
0xb7: {  	[dreg:$0x5] =	wrdreg $0x9  }
0xb8: {  	_ =	task.clear_ibuf [dreg:s7], $0x6FFFF;
	_ =	strace $0x90000046  }
0xb9: {  	s29 =	simm.s32 $0x9;
	_ =	strace $0x80000048  }
0xba: {  	_ =	swait.ge [sflag:s29], $0x1  }
0xbb: {  	[sflag:s29] =	ssyncadd.s32 $0xFFFFFFFF  }
0xbc: {  	_ =	strace $0x90000048  }
0xbd: {  	_ =	sfence  }
0xbe: {  	s30 =	sld [smem:$0x0];
	_ =	sdelay $0x2  }
0xbf: {  	s31 =	sshll.u32 s1, $0xD;
	s1 =	sshrl.u32 s1, $0x2  }
0xc0: {  	s3 =	sand.u32 $0x4000, s31;
	s1 =	sadd.s32 s1, s30  }
0xc1: {  	s0 =	sor.u32 s3, s0;
	s1 =	sshll.u32 s1, $0x11  }
0xc2: {  	s0 =	sor.u32 s1, s0  }
0xc3: {  	s0 =	sadd.s32 $0x8F2B, s0  }
0xc4: {  	[sflag:s0] =	ssyncadd.remote.s32 $0x1  }
0xc5: {  	_ =	sfence.sel $0xFFFF  }
0xc6: {  	[dreg:$0x0] =	wrdreg $0xFFFFFFFF;
	(pc) =	sbr.abs _section_cstart, $3  }
0xc7: {  	[dreg:$0x1] =	wrdreg $0xFFFFFFFF  }
0xc8: {  	_ =	task.clear_ibuf [dreg:s7], $0x2FFFF;
	_ =	strace $0x9FFFFFFF  }
0xc9: {  	(tm) =	ssettm $0x7FFFFFFF  }
tec
execute0_lowered:
.L_overlay_start_1:
0x0: {  	(tag) =	ssettag $0x1  }
0x1: {  	s6 =	rddreg [dreg:$0x0]  }
0x2: {  	s2 =	rddreg [dreg:$0x1];
	s0 =	srdreg.scid  }
0x3: {  	s3 =	stileid.u32;
	s4 =	rddreg [dreg:$0x2]  }
0x4: {  	s1 =	simm.s32 $0x0;
	s5 =	sand.u32 $0x1, s0;
	s7 =	sshll.u32 s3, $0x1  }
0x5: {  	s10 =	simm.s32 $0x80;
	s7 =	sor.u32 s5, s7;
	s5 =	ssub.s32 $0x2, s5  }
0x6: {  	s11 =	simm.s32 $0x3400;
	s12 =	simm.s32 $0x100;
	s9 =	sshrl.u32 s5, $0x1  }
0x7: {  	s13 =	simm.s32 $0x6400;
	s14 =	simm.s32 $0x180;
	s5 =	ssub.s32 s5, s9  }
0x8: {  	s15 =	simm.s32 $0x9400;
	s16 =	simm.s32 $0x200;
	s31 =	smax.u32 s5, $0x1  }
0x9: {  	s17 =	simm.s32 $0xC400;
	s18 =	simm.s32 $0x280;
	s23 =	sadd.s32 $0xFFFFFFFF, s31  }
0xa: {  	s20 =	simm.s32 $0xF400;
	s0 =	rddreg [dreg:$0x3];
	p2 =	sne.s32 s23, $0x0  }
.Ltmp0:
0xb: {  	p1 =	por $0x0, $0x0;
	[smem:$0x7FF] =	sst s1;
	(pc) =	sbr.rel @!p2 .LBB2_3-.Ltmp0, $4  }
0xc: {  	p0 =	sne.s32 s3, $0x0;
	s3 =	simm.s32 $0x2;
	s8 =	smul.u32 $0x2400, s7  }
0xd: {  	_ =	strace $0x80000047;
	s19 =	sshrl.u32 @!p0 s4, $0x3;
	s7 =	sshll.u32 s7, $0x7  }
0xe: {  	s9 =	sadd.s32 s2, s7;
	s7 =	simm.s32 $0x1;
	s8 =	sadd.s32 s8, s2  }
0xf: {  	s5 =	simm.s32 $0x400;
	s2 =	sadd.s32 $0x1000, s8;
	s8 =	simm.s32 $0x60  }
0x10: {  	s21 =	simm.s32 @!p0 $0x1C02;
	s22 =	simm.s32 @!p0 $0x2  }
0x11: {  	[spmem:s19], [sflag:s21] =	dma.local @!p0 [hbm:s6], $0x4000  }
0x12: {  	_ =	swait.ge @!p0 [sflag:s22], $0x4000  }
0x13: {  	[sflag:s22] =	ssyncset.done @!p0 $0x0  }
0x14: {  	[sflag:s22] =	ssyncadd.s32 @!p0 $0xFFFFC000  }
0x15: {  	[tilespmem:s1], [sflag:$0x2] =	stream.linear.gather [hbm4b:s9+s1], $0x300, $0x38;
	[tilespmem:$0x14400] =	vst v63  }
0x16: {  	_ =	swait.ge [sflag:s3], $0x300  }
0x17: {  	[sflag:s3] =	ssyncset.done $0x0  }
0x18: {  	[sflag:s3] =	ssyncadd.s32 $0xFFFFFD00  }
0x19: {  	[bflag:$0x0] =	sbarrier.arrive $0xFFFF  }
0x1a: {  	[tilespmem:s5], [sflag:$0x1] =	stream.indirect.gather [spmem:s4], $0x80, s1, s8, $0xb8;
	[tilespmem:$0x14400] =	vst v63  }
0x1b: {  	_ = 	snop  }
0x1c: {  	[tilespmem:s11], [sflag:$0x1] =	stream.indirect.gather [spmem:s4], $0x80, s10, s8, $0xb8;
	[tilespmem:$0x14400] =	vst v63  }
0x1d: {  	_ = 	snop  }
0x1e: {  	[tilespmem:s13], [sflag:$0x1] =	stream.indirect.gather [spmem:s4], $0x80, s12, s8, $0xb8;
	[tilespmem:$0x14400] =	vst v63  }
0x1f: {  	_ = 	snop  }
0x20: {  	[tilespmem:s15], [sflag:$0x1] =	stream.indirect.gather [spmem:s4], $0x80, s14, s8, $0xb8;
	[tilespmem:$0x14400] =	vst v63  }
0x21: {  	_ = 	snop  }
0x22: {  	[tilespmem:s17], [sflag:$0x1] =	stream.indirect.gather [spmem:s4], $0x80, s16, s8, $0xb8;
	[tilespmem:$0x14400] =	vst v63  }
0x23: {  	_ = 	snop  }
0x24: {  	[tilespmem:s20], [sflag:$0x1] =	stream.indirect.gather [spmem:s4], $0x80, s18, s8, $0xb8;
	[tilespmem:$0x14400] =	vst v63  }
0x25: {  	_ =	swait.ge [sflag:s7], $0x3000  }
0x26: {  	[sflag:s7] =	ssyncset.done $0x0  }
0x27: {  	[sflag:s7] =	ssyncadd.s32 $0xFFFFD000  }
0x28: {  	_ =	swait.ge [sflag:s7], $0x3000  }
0x29: {  	[sflag:s7] =	ssyncset.done $0x0  }
0x2a: {  	[sflag:s7] =	ssyncadd.s32 $0xFFFFD000  }
0x2b: {  	_ =	swait.ge [sflag:s7], $0x3000  }
0x2c: {  	[sflag:s7] =	ssyncset.done $0x0  }
0x2d: {  	[sflag:s7] =	ssyncadd.s32 $0xFFFFD000  }
0x2e: {  	_ =	swait.ge [sflag:s7], $0x3000  }
0x2f: {  	[sflag:s7] =	ssyncset.done $0x0  }
0x30: {  	[sflag:s7] =	ssyncadd.s32 $0xFFFFD000  }
0x31: {  	_ =	swait.ge [sflag:s7], $0x3000  }
0x32: {  	[sflag:s7] =	ssyncset.done $0x0  }
0x33: {  	s23 =	sadd.s32 $0xFFFFFFFF, s23;
	[sflag:s7] =	ssyncadd.s32 $0xFFFFD000  }
0x34: {  	p2 =	sne.s32 s23, $0x0;
	_ =	swait.ge [sflag:s7], $0x3000  }
.Ltmp1:
0x35: {  	[sflag:s7] =	ssyncset.done $0x0;
	(pc) =	sbr.rel @!p2 .LBB2_3-.Ltmp1, $4  }
0x36: {  	[sflag:s7] =	ssyncadd.s32 $0xFFFFD000  }
0x37: {  	[hbm4b:s2+s1] =	stream.linear.scatter [tilespmem:s5], [sflag:$0x2], $0x12000, $0x38;
	[tilespmem:$0x14400] =	vst v63  }
0x38: {  	_ =	swait.ge [sflag:s3], $0x12000  }
0x39: {  	p1 =	por $0x1, $0x1;
	[sflag:s3] =	ssyncset.done $0x0  }
.LBB2_2:
0x3a: {  	[sflag:s3] =	ssyncadd.s32 $0xFFFEE000  }
0x3b: {  	[spmem:s19], [sflag:s21] =	dma.local @!p0 [hbm:s6], $0x4000  }
0x3c: {  	s23 =	sadd.s32 $0xFFFFFFFF, s23;
	_ =	swait.ge @!p0 [sflag:s22], $0x4000  }
0x3d: {  	p2 =	sne.s32 s23, $0x0;
	[sflag:s22] =	ssyncset.done @!p0 $0x0  }
0x3e: {  	[sflag:s22] =	ssyncadd.s32 @!p0 $0xFFFFC000  }
0x3f: {  	[tilespmem:s1], [sflag:$0x2] =	stream.linear.gather [hbm4b:s9+s1], $0x300, $0x38;
	[tilespmem:$0x14400] =	vst v63  }
0x40: {  	_ =	swait.ge [sflag:s3], $0x300  }
0x41: {  	[sflag:s3] =	ssyncset.done $0x0  }
0x42: {  	[sflag:s3] =	ssyncadd.s32 $0xFFFFFD00  }
0x43: {  	[bflag:$0x0] =	sbarrier.arrive $0xFFFF  }
0x44: {  	[tilespmem:s5], [sflag:$0x1] =	stream.indirect.gather [spmem:s4], $0x80, s1, s8, $0xb8;
	[tilespmem:$0x14400] =	vst v63  }
0x45: {  	_ = 	snop  }
0x46: {  	[tilespmem:s11], [sflag:$0x1] =	stream.indirect.gather [spmem:s4], $0x80, s10, s8, $0xb8;
	[tilespmem:$0x14400] =	vst v63  }
0x47: {  	_ = 	snop  }
0x48: {  	[tilespmem:s13], [sflag:$0x1] =	stream.indirect.gather [spmem:s4], $0x80, s12, s8, $0xb8;
	[tilespmem:$0x14400] =	vst v63  }
0x49: {  	_ = 	snop  }
0x4a: {  	[tilespmem:s15], [sflag:$0x1] =	stream.indirect.gather [spmem:s4], $0x80, s14, s8, $0xb8;
	[tilespmem:$0x14400] =	vst v63  }
0x4b: {  	_ = 	snop  }
0x4c: {  	[tilespmem:s17], [sflag:$0x1] =	stream.indirect.gather [spmem:s4], $0x80, s16, s8, $0xb8;
	[tilespmem:$0x14400] =	vst v63  }
0x4d: {  	_ = 	snop  }
0x4e: {  	[tilespmem:s20], [sflag:$0x1] =	stream.indirect.gather [spmem:s4], $0x80, s18, s8, $0xb8;
	[tilespmem:$0x14400] =	vst v63  }
0x4f: {  	_ =	swait.ge [sflag:s7], $0x3000  }
0x50: {  	[sflag:s7] =	ssyncset.done $0x0  }
0x51: {  	[sflag:s7] =	ssyncadd.s32 $0xFFFFD000  }
0x52: {  	_ =	swait.ge [sflag:s7], $0x3000  }
0x53: {  	[sflag:s7] =	ssyncset.done $0x0  }
0x54: {  	[sflag:s7] =	ssyncadd.s32 $0xFFFFD000  }
0x55: {  	_ =	swait.ge [sflag:s7], $0x3000  }
0x56: {  	[sflag:s7] =	ssyncset.done $0x0  }
0x57: {  	[sflag:s7] =	ssyncadd.s32 $0xFFFFD000  }
0x58: {  	_ =	swait.ge [sflag:s7], $0x3000  }
0x59: {  	[sflag:s7] =	ssyncset.done $0x0  }
0x5a: {  	[sflag:s7] =	ssyncadd.s32 $0xFFFFD000  }
0x5b: {  	_ =	swait.ge [sflag:s7], $0x3000  }
0x5c: {  	[sflag:s7] =	ssyncset.done $0x0  }
0x5d: {  	[sflag:s7] =	ssyncadd.s32 $0xFFFFD000  }
0x5e: {  	_ =	swait.ge [sflag:s7], $0x3000  }
.Ltmp2:
0x5f: {  	[sflag:s7] =	ssyncset.done $0x0;
	(pc) =	sbr.rel @p2 .LBB2_2-.Ltmp2, $4  }
0x60: {  	[sflag:s7] =	ssyncadd.s32 $0xFFFFD000  }
0x61: {  	[hbm4b:s2+s1] =	stream.linear.scatter [tilespmem:s5], [sflag:$0x2], $0x12000, $0x38;
	[tilespmem:$0x14400] =	vst v63  }
0x62: {  	_ =	swait.ge [sflag:s3], $0x12000  }
0x63: {  	[sflag:s3] =	ssyncset.done $0x0  }
.LBB2_3:
0x64: {  	s21 =	simm.s32 @!p0 $0x1C02;
	s22 =	simm.s32 @!p0 $0x2;
	[sflag:s3] =	ssyncadd.s32 @p1 $0xFFFEE000  }
0x65: {  	[spmem:s19], [sflag:s21] =	dma.local @!p0 [hbm:s6], $0x4000  }
0x66: {  	_ =	swait.ge @!p0 [sflag:s22], $0x4000  }
0x67: {  	[sflag:s22] =	ssyncset.done @!p0 $0x0  }
0x68: {  	[sflag:s22] =	ssyncadd.s32 @!p0 $0xFFFFC000  }
0x69: {  	[tilespmem:s1], [sflag:$0x2] =	stream.linear.gather [hbm4b:s9+s1], $0x300, $0x38;
	[tilespmem:$0x14400] =	vst v63  }
0x6a: {  	_ =	swait.ge [sflag:s3], $0x300  }
0x6b: {  	[sflag:s3] =	ssyncset.done $0x0  }
0x6c: {  	[sflag:s3] =	ssyncadd.s32 $0xFFFFFD00  }
0x6d: {  	[bflag:$0x0] =	sbarrier.arrive $0xFFFF  }
0x6e: {  	[tilespmem:s5], [sflag:$0x1] =	stream.indirect.gather [spmem:s4], $0x80, s1, s8, $0xb8;
	[tilespmem:$0x14400] =	vst v63  }
0x6f: {  	_ = 	snop  }
0x70: {  	[tilespmem:s11], [sflag:$0x1] =	stream.indirect.gather [spmem:s4], $0x80, s10, s8, $0xb8;
	[tilespmem:$0x14400] =	vst v63  }
0x71: {  	_ = 	snop  }
0x72: {  	[tilespmem:s13], [sflag:$0x1] =	stream.indirect.gather [spmem:s4], $0x80, s12, s8, $0xb8;
	[tilespmem:$0x14400] =	vst v63  }
0x73: {  	_ = 	snop  }
0x74: {  	[tilespmem:s15], [sflag:$0x1] =	stream.indirect.gather [spmem:s4], $0x80, s14, s8, $0xb8;
	[tilespmem:$0x14400] =	vst v63  }
0x75: {  	_ = 	snop  }
0x76: {  	[tilespmem:s17], [sflag:$0x1] =	stream.indirect.gather [spmem:s4], $0x80, s16, s8, $0xb8;
	[tilespmem:$0x14400] =	vst v63  }
0x77: {  	_ = 	snop  }
0x78: {  	[tilespmem:s20], [sflag:$0x1] =	stream.indirect.gather [spmem:s4], $0x80, s18, s8, $0xb8;
	[tilespmem:$0x14400] =	vst v63  }
0x79: {  	_ =	swait.ge [sflag:s7], $0x3000  }
0x7a: {  	[sflag:s7] =	ssyncset.done $0x0  }
0x7b: {  	[sflag:s7] =	ssyncadd.s32 $0xFFFFD000  }
0x7c: {  	_ =	swait.ge [sflag:s7], $0x3000  }
0x7d: {  	[sflag:s7] =	ssyncset.done $0x0  }
0x7e: {  	[sflag:s7] =	ssyncadd.s32 $0xFFFFD000  }
0x7f: {  	_ =	swait.ge [sflag:s7], $0x3000  }
0x80: {  	[sflag:s7] =	ssyncset.done $0x0  }
0x81: {  	[sflag:s7] =	ssyncadd.s32 $0xFFFFD000  }
0x82: {  	_ =	swait.ge [sflag:s7], $0x3000  }
0x83: {  	[sflag:s7] =	ssyncset.done $0x0  }
0x84: {  	[sflag:s7] =	ssyncadd.s32 $0xFFFFD000  }
0x85: {  	_ =	swait.ge [sflag:s7], $0x3000  }
0x86: {  	[sflag:s7] =	ssyncset.done $0x0  }
0x87: {  	[sflag:s7] =	ssyncadd.s32 $0xFFFFD000  }
0x88: {  	_ =	swait.ge [sflag:s7], $0x3000  }
0x89: {  	[sflag:s7] =	ssyncset.done $0x0  }
0x8a: {  	[sflag:s7] =	ssyncadd.s32 $0xFFFFD000  }
0x8b: {  	[hbm4b:s2+s1] =	stream.linear.scatter [tilespmem:s5], [sflag:$0x2], $0x12000, $0x38;
	[tilespmem:$0x14400] =	vst v63  }
0x8c: {  	_ =	swait.ge [sflag:s3], $0x12000  }
0x8d: {  	[sflag:s3] =	ssyncset.done $0x0  }
0x8e: {  	[sflag:s3] =	ssyncadd.s32 $0xFFFEE000  }
0x8f: {  	_ =	sfence.sel $0x180000  }
0x90: {  	[bflag:$0x0] =	sbarrier.arrive $0xFFFF  }
0x91: {  	_ =	strace $0x90000047  }
0x92: {  	s0 =	sadd.s32 @!p0 $0x100000, s0;
	[bflag:$0x2] =	sbarrier.arrive $0xFFFF  }
0x93: {  	[sflag:s0] =	ssyncadd.tile.s32 @!p0 $0x1;
	_ =	shalt  }
.Lfunc_end2:
_tile_overlayer_lowered:
.L_overlay_start_2:
0x94: {  	(tag) =	ssettag $0x2  }
0x95: {  	s0 =	rddreg [dreg:$0x0];
	s2 =	stileid.u32  }
0x96: {  	s1 =	rddreg [dreg:$0x1];
	p0 =	sne.s32 s2, $0x0  }
0x97: {  	s3 =	rddreg [dreg:$0x2];
	[bflag:$0x3] =	sbarrier.arrive $0xFFFF;
	s2 =	simm.s32 @!p0 $0x1C02  }
0x98: {  	[timem:s3], [sflag:s2] =	dma.local @!p0 [hbm:s0], s1  }
0x99: {  	s0 =	simm.s32 @!p0 $0x2  }
0x9a: {  	_ =	swait.ge @!p0 [sflag:s0], s1  }
0x9b: {  	s1 =	ssub.s32 @!p0 $0x0, s1;
	[sflag:s0] =	ssyncset.done @!p0 $0x0  }
0x9c: {  	[sflag:s0] =	ssyncadd.s32 @!p0 s1  }
0x9d: {  	[bflag:$0x3] =	sbarrier.arrive $0xFFFF  }
0x9e: {  	_ =	shalt  }

</sc_bundles>
